<compile_context>
chip_gen: v7x
topology: tpu7x:2x2x1
jax: 0.10.2.dev20260603
libtpu: 0.0.44.dev20260713+nightly
codegen_flags: <defaults>
</compile_context>

<pallas_src>
import functools

import jax
import jax.numpy as jnp
from jax import lax
from jax.experimental import pallas as pl
from jax.experimental.pallas import tpu as pltpu
from jax.experimental.pallas import tpu_sc as plsc

_N = 10000
_E = 320000
_H = 128
_NG = 64
_OUT = 8

_NC = 2
_NS = 16
_L = 16
_NW = _NC * _NS
_EPW = _E // _NW

_BE = 2560
_NB = _E // _BE


def _sc_edge_batch(batch, src):
    mesh = plsc.VectorSubcoreMesh(core_axis_name="c", subcore_axis_name="s")

    @functools.partial(
        pl.kernel,
        out_type=jax.ShapeDtypeStruct((_E,), jnp.int32),
        mesh=mesh,
        scratch_types=[
            pltpu.VMEM((_N,), jnp.int32),
            pltpu.VMEM((_EPW,), jnp.int32),
            pltpu.VMEM((_EPW,), jnp.int32),
        ],
        compiler_params=pltpu.CompilerParams(needs_layout_passes=False),
    )
    def k(batch_hbm, src_hbm, out_hbm, tbl_v, idx_v, out_v):
        wid = lax.axis_index("s") * _NC + lax.axis_index("c")
        base = wid * _EPW
        pltpu.sync_copy(batch_hbm, tbl_v)
        pltpu.sync_copy(src_hbm.at[pl.ds(base, _EPW)], idx_v)

        def body(i, carry):
            o = i * _L
            idx = idx_v[pl.ds(o, _L)]
            out_v[pl.ds(o, _L)] = plsc.load_gather(tbl_v, [idx])
            return carry

        lax.fori_loop(0, _EPW // _L, body, 0)
        pltpu.sync_copy(out_v, out_hbm.at[pl.ds(base, _EPW)])

    return k(batch, src)


_INV_2PI = 0.15915494309189535
_TWO_PI = 6.283185307179586
_S1 = 9.99984587e-01
_S3 = -1.66632582e-01
_S5 = 8.31238293e-03
_S7 = -1.93161822e-04
_S9 = 2.17321007e-06


def _fast_sin(x):
    q = jnp.round(x * _INV_2PI)
    r = x - q * _TWO_PI
    r2 = r * r
    p = _S9
    p = p * r2 + _S7
    p = p * r2 + _S5
    p = p * r2 + _S3
    p = p * r2 + _S1
    return p * r


def _tc_body(attr_ref, seg_ref, Ww, bw, Wel, bel, ete, Wc, bc, Wep, bep,
             pW1, pb1, pW2, pb2, rW1, rb1, rW2, rb2, out_ref, acc_ref):
    i = pl.program_id(0)
    attr = attr_ref[...]
    f32 = jnp.float32

    e0 = _fast_sin(attr[:, 0:1] * Ww[...] + bw[...])
    e1 = _fast_sin(attr[:, 1:2] * Wel[...] + bel[...])
    Wcv = Wc[...]
    e3 = _fast_sin(attr[:, 3:4] * Wcv[0:1, :] + attr[:, 4:5] * Wcv[1:2, :]
                   + attr[:, 5:6] * Wcv[2:3, :] + bc[...])
    t = attr[:, 2:3].astype(jnp.int32)
    oh_t = (t == lax.broadcasted_iota(jnp.int32, (_BE, 4), 1)).astype(f32)

    Wep_v = Wep[...]
    m2 = jnp.dot(ete[...], Wep_v[2 * _H:3 * _H, :], preferred_element_type=f32)
    ea = (jnp.dot(e0, Wep_v[0:_H, :], preferred_element_type=f32)
          + jnp.dot(e1, Wep_v[_H:2 * _H, :], preferred_element_type=f32)
          + jnp.dot(e3, Wep_v[3 * _H:4 * _H, :], preferred_element_type=f32)
          + jnp.dot(oh_t, m2, preferred_element_type=f32)
          + bep[...])

    h1 = jnp.maximum(jnp.dot(ea, pW1[...], preferred_element_type=f32)
                     + pb1[...], 0.0)
    h = jnp.dot(h1, pW2[...], preferred_element_type=f32) + pb2[...]

    seg = seg_ref[0, 0, :]
    oh_seg = (lax.broadcasted_iota(jnp.int32, (_NG, _BE), 0)
              == seg[None, :]).astype(f32)
    contrib = jnp.dot(oh_seg, h, preferred_element_type=f32)

    @pl.when(i == 0)
    def _():
        acc_ref[...] = jnp.zeros_like(acc_ref)

    acc_ref[...] += contrib

    @pl.when(i == _NB - 1)
    def _():
        pooled = acc_ref[...]
        g1 = jnp.maximum(jnp.dot(pooled, rW1[...], preferred_element_type=f32)
                         + rb1[...], 0.0)
        g = jnp.dot(g1, rW2[...], preferred_element_type=f32) + rb2[...]
        out_ref[...] = 1.0 / (1.0 + jnp.exp(-g))


def _full(shape):
    return pl.BlockSpec(shape, lambda i: (0,) * len(shape))


def _tc_call(edge_attr, seg3, W_weight, b_weight, W_elayer, b_elayer,
             edge_type_emb, W_convpos, b_convpos, W_eproj, b_eproj,
             phi_W1, phi_b1, phi_W2, phi_b2, rho_W1, rho_b1, rho_W2, rho_b2):
    return pl.pallas_call(
        _tc_body,
        grid=(_NB,),
        in_specs=[
            pl.BlockSpec((_BE, 6), lambda i: (i, 0)),
            pl.BlockSpec((1, 1, _BE), lambda i: (i, 0, 0)),
            _full((1, _H)), _full((_H,)),
            _full((1, _H)), _full((_H,)),
            _full((4, _H)),
            _full((3, _H)), _full((_H,)),
            _full((4 * _H, _H)), _full((_H,)),
            _full((_H, _H)), _full((_H,)),
            _full((_H, _H)), _full((_H,)),
            _full((_H, _H)), _full((_H,)),
            _full((_H, _OUT)), _full((_OUT,)),
        ],
        out_specs=pl.BlockSpec((_NG, _OUT), lambda i: (0, 0)),
        out_shape=jax.ShapeDtypeStruct((_NG, _OUT), jnp.float32),
        scratch_shapes=[pltpu.VMEM((_NG, _H), jnp.float32)],
    )(edge_attr, seg3, W_weight, b_weight, W_elayer, b_elayer,
      edge_type_emb, W_convpos, b_convpos, W_eproj, b_eproj,
      phi_W1, phi_b1, phi_W2, phi_b2, rho_W1, rho_b1, rho_W2, rho_b2)


def kernel(x, edge_index, edge_attr, batch, W_node, b_node, W_neuron,
           b_neuron, node_type_emb, W_xproj, b_xproj, W_weight, b_weight,
           W_elayer, b_elayer, edge_type_emb, W_convpos, b_convpos, W_eproj,
           b_eproj, phi_W1, phi_b1, phi_W2, phi_b2, rho_W1, rho_b1, rho_W2,
           rho_b2):
    src = edge_index[0]
    seg = _sc_edge_batch(batch, src)
    seg3 = seg.reshape(_NB, 1, _BE)
    return _tc_call(edge_attr, seg3, W_weight, b_weight, W_elayer, b_elayer,
                    edge_type_emb, W_convpos, b_convpos, W_eproj, b_eproj,
                    phi_W1, phi_b1, phi_W2, phi_b2,
                    rho_W1, rho_b1, rho_W2, rho_b2)

# --- scband reference (transcript-rebuilt; emitter-appended) ---
"""Pipeline reference for scband-graph-pred-gen-17806934409806 (READ-ONLY COPY).

The authoritative reference and input builder live on the scoring server;
editing this copy changes nothing except your own understanding.
"""

import jax, jax.numpy as jnp
import numpy as np

N = 10000
E = 320000
H = 128
NG = 64
OUT = 8
NTYPES = 4
ETYPES = 4


def setup_inputs(seed: int = 0) -> dict:
    key = jax.random.key(seed)
    ks = jax.random.split(key, 32)
    inp = {}
    inp["x"] = jax.random.uniform(ks[0], (N, 3), dtype=jnp.float32)
    inp["edge_index"] = jax.random.randint(ks[1], (2, E), 0, N, dtype=jnp.int32)
    inp["edge_attr"] = jax.random.uniform(ks[2], (E, 6), dtype=jnp.float32)
    inp["batch"] = jnp.sort(jax.random.randint(ks[3], (N,), 0, NG, dtype=jnp.int32))
    # pre-encoder params
    inp["W_node"] = jax.random.normal(ks[4], (1, H), dtype=jnp.float32)
    inp["b_node"] = jnp.zeros((H,), dtype=jnp.float32)
    inp["W_neuron"] = jax.random.normal(ks[5], (1, H), dtype=jnp.float32)
    inp["b_neuron"] = jnp.zeros((H,), dtype=jnp.float32)
    inp["node_type_emb"] = jax.random.normal(ks[6], (NTYPES, H), dtype=jnp.float32)
    inp["W_xproj"] = jax.random.normal(ks[7], (3 * H, H), dtype=jnp.float32) * 0.05
    inp["b_xproj"] = jnp.zeros((H,), dtype=jnp.float32)
    inp["W_weight"] = jax.random.normal(ks[8], (1, H), dtype=jnp.float32)
    inp["b_weight"] = jnp.zeros((H,), dtype=jnp.float32)
    inp["W_elayer"] = jax.random.normal(ks[9], (1, H), dtype=jnp.float32)
    inp["b_elayer"] = jnp.zeros((H,), dtype=jnp.float32)
    inp["edge_type_emb"] = jax.random.normal(ks[10], (ETYPES, H), dtype=jnp.float32)
    inp["W_convpos"] = jax.random.normal(ks[11], (3, H), dtype=jnp.float32) * 0.3
    inp["b_convpos"] = jnp.zeros((H,), dtype=jnp.float32)
    inp["W_eproj"] = jax.random.normal(ks[12], (4 * H, H), dtype=jnp.float32) * 0.05
    inp["b_eproj"] = jnp.zeros((H,), dtype=jnp.float32)
    # DeepSets edge readout params (phi: 2-layer MLP, rho: 2-layer MLP)
    inp["phi_W1"] = jax.random.normal(ks[13], (H, H), dtype=jnp.float32) * 0.05
    inp["phi_b1"] = jnp.zeros((H,), dtype=jnp.float32)
    inp["phi_W2"] = jax.random.normal(ks[14], (H, H), dtype=jnp.float32) * 0.05
    inp["phi_b2"] = jnp.zeros((H,), dtype=jnp.float32)
    inp["rho_W1"] = jax.random.normal(ks[15], (H, H), dtype=jnp.float32) * 0.05
    inp["rho_b1"] = jnp.zeros((H,), dtype=jnp.float32)
    inp["rho_W2"] = jax.random.normal(ks[16], (H, OUT), dtype=jnp.float32) * 0.05
    inp["rho_b2"] = jnp.zeros((OUT,), dtype=jnp.float32)
    return inp


def reference(x, edge_index, edge_attr, batch, W_node, b_node, W_neuron, b_neuron, node_type_emb, W_xproj, b_xproj, W_weight, b_weight, W_elayer, b_elayer, edge_type_emb, W_convpos, b_convpos, W_eproj, b_eproj, phi_W1, phi_b1, phi_W2, phi_b2, rho_W1, rho_b1, rho_W2, rho_b2):
    two_pi = 2.0 * np.pi  # unused for non-ff path but kept for fidelity
    # NodeEdgeFeatEncoder (ff=False, norms=False, post_activation=False)
    x0 = jnp.sin(x[:, 0:1] @ W_node + b_node)
    x1 = jnp.sin(x[:, 1:2] @ W_neuron + b_neuron)
    x2 = jnp.take(node_type_emb, x[:, 2].astype(jnp.int32), axis=0)
    xh = jnp.concatenate([x0, x1, x2], axis=1) @ W_xproj + b_xproj
    e0 = jnp.sin(edge_attr[:, 0:1] @ W_weight + b_weight)
    e1 = jnp.sin(edge_attr[:, 1:2] @ W_elayer + b_elayer)
    e2 = jnp.take(edge_type_emb, edge_attr[:, 2].astype(jnp.int32), axis=0)
    e3 = jnp.sin(edge_attr[:, 3:6] @ W_convpos + b_convpos)
    ea = jnp.concatenate([e0, e1, e2, e3], axis=1) @ W_eproj + b_eproj
    # gnn_type='identity': (x, edge_attr) pass through
    # GNNwEdgeReadout with DSEdgeReadout (DeepSets over edges per graph)
    edge_batch = jnp.take(batch, edge_index[0], axis=0)
    h = jax.nn.relu(ea @ phi_W1 + phi_b1) @ phi_W2 + phi_b2
    pooled = jax.ops.segment_sum(h, edge_batch, num_segments=NG)
    g = jax.nn.relu(pooled @ rho_W1 + rho_b1) @ rho_W2 + rho_b2
    return jax.nn.sigmoid(g)

if __name__ == "__main__":
    import jax
    _d = setup_inputs()
    print(jax.jit(kernel)(*tuple(_d.values())))

</pallas_src>

<mosaic_0001>
#map = affine_map<(d0, d1) -> (0)>
module attributes {stable_mosaic.version = 14 : i64} {
  func.func @k(%arg0: i32, %arg1: i32, %arg2: memref<10000xi32, #tpu.memory_space<hbm>>, %arg3: memref<320000xi32, #tpu.memory_space<hbm>>, %arg4: memref<320000xi32, #tpu.memory_space<hbm>>, %arg5: memref<10000xi32, #tpu.memory_space<vmem>>, %arg6: memref<10000xi32, #tpu.memory_space<vmem>>, %arg7: memref<10000xi32, #tpu.memory_space<vmem>>) attributes {dimension_semantics = [#tpu.dimension_semantics<core_parallel>, #tpu.dimension_semantics<subcore_parallel>], iteration_bounds = array<i64: 2, 16>, scalar_prefetch = 0 : i64, scratch_operands = 3 : i64, tpu.core_type = #tpu.core_type<sc_vector_subcore>, window_params = [{transform_indices = #map}, {transform_indices = #map}, {transform_indices = #map}]} {
    %mul3A = arith.constant 2 : i32
    %mul3A_0 = arith.muli %arg1, %mul3A : i32
    %add3A = arith.addi %mul3A_0, %arg0 : i32
    %mul3A_1 = arith.constant 10000 : i32
    %mul3A_2 = arith.muli %add3A, %mul3A_1 : i32
    "tpu.region"() ({
      %run_scoped3A = tpu.sem_alloc : memref<!tpu.dma_semaphore, #tpu.memory_space<semaphore_mem>>
      tpu.enqueue_dma source(%arg2 : memref<10000xi32, #tpu.memory_space<hbm>>) target(%arg5 : memref<10000xi32, #tpu.memory_space<vmem>>) target_semaphore(%run_scoped3A : memref<!tpu.dma_semaphore, #tpu.memory_space<semaphore_mem>>)
      tpu.wait_dma2 semaphore(%run_scoped3A : memref<!tpu.dma_semaphore, #tpu.memory_space<semaphore_mem>>) src(%arg2 : memref<10000xi32, #tpu.memory_space<hbm>>) dst(%arg5 : memref<10000xi32, #tpu.memory_space<vmem>>)
      tpu.yield
    }) : () -> ()
    "tpu.region"() ({
      %run_scoped3A = tpu.sem_alloc : memref<!tpu.dma_semaphore, #tpu.memory_space<semaphore_mem>>
      %dma_start3A = tpu.memref_slice %arg3[%mul3A_2] : memref<320000xi32, #tpu.memory_space<hbm>> -> memref<10000xi32, #tpu.memory_space<hbm>>
      %dma_start3A_8 = tpu.memref_slice %arg3[%mul3A_2] : memref<320000xi32, #tpu.memory_space<hbm>> -> memref<10000xi32, #tpu.memory_space<hbm>>
      tpu.enqueue_dma source(%dma_start3A_8 : memref<10000xi32, #tpu.memory_space<hbm>>) target(%arg6 : memref<10000xi32, #tpu.memory_space<vmem>>) target_semaphore(%run_scoped3A : memref<!tpu.dma_semaphore, #tpu.memory_space<semaphore_mem>>)
      %dma_wait3A = tpu.memref_slice %arg3[%mul3A_2] : memref<320000xi32, #tpu.memory_space<hbm>> -> memref<10000xi32, #tpu.memory_space<hbm>>
      %dma_wait3A_9 = tpu.memref_slice %arg3[%mul3A_2] : memref<320000xi32, #tpu.memory_space<hbm>> -> memref<10000xi32, #tpu.memory_space<hbm>>
      tpu.wait_dma2 semaphore(%run_scoped3A : memref<!tpu.dma_semaphore, #tpu.memory_space<semaphore_mem>>) src(%dma_wait3A_9 : memref<10000xi32, #tpu.memory_space<hbm>>) dst(%arg6 : memref<10000xi32, #tpu.memory_space<vmem>>)
      tpu.yield
    }) : () -> ()
    %scan3A = arith.constant 0 : i32
    %scan3A_3 = arith.constant 0 : i32
    %scan3A_4 = arith.constant 625 : i32
    %scan3A_5 = arith.addi %scan3A_3, %scan3A_4 : i32
    %scan3A_6 = arith.constant 1 : i32
    scf.for %scan3A_8 = %scan3A_3 to %scan3A_5 step %scan3A_6  : i32 {
      %mul3A_9 = arith.constant 16 : i32
      %mul3A_10 = arith.muli %scan3A_8, %mul3A_9 : i32
      %get3A = arith.index_cast %mul3A_10 : i32 to index
      %get3A_11 = tpu.vector_load %arg6[%get3A] {strides = array<i32>} : memref<10000xi32, #tpu.memory_space<vmem>>, vector<16xi32>,
      %gather3A = tpu.vector_load_idx %arg5[%get3A_11] : memref<10000xi32, #tpu.memory_space<vmem>>[vector<16xi32>], vector<16xi32>,
      %swap3A = arith.index_cast %mul3A_10 : i32 to index
      %swap3A_12 = tpu.vector_load %arg7[%swap3A] {strides = array<i32>} : memref<10000xi32, #tpu.memory_space<vmem>>, vector<16xi32>,
      tpu.vector_store %arg7[%swap3A], %gather3A {strides = array<i32>} : memref<10000xi32, #tpu.memory_space<vmem>>, vector<16xi32>,
    }
    %scan3A_7 = arith.constant 625 : i32
    "tpu.region"() ({
      %run_scoped3A = tpu.sem_alloc : memref<!tpu.dma_semaphore, #tpu.memory_space<semaphore_mem>>
      %dma_start3A = tpu.memref_slice %arg4[%mul3A_2] : memref<320000xi32, #tpu.memory_space<hbm>> -> memref<10000xi32, #tpu.memory_space<hbm>>
      %dma_start3A_8 = tpu.memref_slice %arg4[%mul3A_2] : memref<320000xi32, #tpu.memory_space<hbm>> -> memref<10000xi32, #tpu.memory_space<hbm>>
      tpu.enqueue_dma source(%arg7 : memref<10000xi32, #tpu.memory_space<vmem>>) target(%dma_start3A_8 : memref<10000xi32, #tpu.memory_space<hbm>>) target_semaphore(%run_scoped3A : memref<!tpu.dma_semaphore, #tpu.memory_space<semaphore_mem>>)
      %dma_wait3A = tpu.memref_slice %arg4[%mul3A_2] : memref<320000xi32, #tpu.memory_space<hbm>> -> memref<10000xi32, #tpu.memory_space<hbm>>
      %dma_wait3A_9 = tpu.memref_slice %arg4[%mul3A_2] : memref<320000xi32, #tpu.memory_space<hbm>> -> memref<10000xi32, #tpu.memory_space<hbm>>
      tpu.wait_dma2 semaphore(%run_scoped3A : memref<!tpu.dma_semaphore, #tpu.memory_space<semaphore_mem>>) src(%arg7 : memref<10000xi32, #tpu.memory_space<vmem>>) dst(%dma_wait3A_9 : memref<10000xi32, #tpu.memory_space<hbm>>)
      tpu.yield
    }) : () -> ()
    return
  }
}

module attributes {stable_mosaic.version = 14 : i64} {
  func.func @_tc_body(%arg0: i32, %arg1: memref<2560x6xf32, #tpu.memory_space<vmem>>, %arg2: memref<1x1x2560xi32, #tpu.memory_space<vmem>>, %arg3: memref<1x128xf32, #tpu.memory_space<vmem>>, %arg4: memref<128xf32, #tpu.memory_space<vmem>>, %arg5: memref<1x128xf32, #tpu.memory_space<vmem>>, %arg6: memref<128xf32, #tpu.memory_space<vmem>>, %arg7: memref<4x128xf32, #tpu.memory_space<vmem>>, %arg8: memref<3x128xf32, #tpu.memory_space<vmem>>, %arg9: memref<128xf32, #tpu.memory_space<vmem>>, %arg10: memref<512x128xf32, #tpu.memory_space<vmem>>, %arg11: memref<128xf32, #tpu.memory_space<vmem>>, %arg12: memref<128x128xf32, #tpu.memory_space<vmem>>, %arg13: memref<128xf32, #tpu.memory_space<vmem>>, %arg14: memref<128x128xf32, #tpu.memory_space<vmem>>, %arg15: memref<128xf32, #tpu.memory_space<vmem>>, %arg16: memref<128x128xf32, #tpu.memory_space<vmem>>, %arg17: memref<128xf32, #tpu.memory_space<vmem>>, %arg18: memref<128x8xf32, #tpu.memory_space<vmem>>, %arg19: memref<8xf32, #tpu.memory_space<vmem>>, %arg20: memref<64x8xf32, #tpu.memory_space<vmem>>, %arg21: memref<64x128xf32, #tpu.memory_space<vmem>>) attributes {dimension_semantics = [#tpu.dimension_semantics<arbitrary>], iteration_bounds = array<i64: 125>, scalar_prefetch = 0 : i64, scratch_operands = 1 : i64, tpu.core_type = #tpu.core_type<tc>, window_params = [{transform_indices = @transform_0, window_bounds = array<i64: 2560, 6>}, {transform_indices = @transform_1, window_bounds = array<i64: 1, 1, 2560>}, {pipeline_mode = #tpu.pipeline_mode<synchronous>, transform_indices = @transform_2, window_bounds = array<i64: 1, 128>}, {pipeline_mode = #tpu.pipeline_mode<synchronous>, transform_indices = @transform_3, window_bounds = array<i64: 128>}, {pipeline_mode = #tpu.pipeline_mode<synchronous>, transform_indices = @transform_4, window_bounds = array<i64: 1, 128>}, {pipeline_mode = #tpu.pipeline_mode<synchronous>, transform_indices = @transform_5, window_bounds = array<i64: 128>}, {pipeline_mode = #tpu.pipeline_mode<synchronous>, transform_indices = @transform_6, window_bounds = array<i64: 4, 128>}, {pipeline_mode = #tpu.pipeline_mode<synchronous>, transform_indices = @transform_7, window_bounds = array<i64: 3, 128>}, {pipeline_mode = #tpu.pipeline_mode<synchronous>, transform_indices = @transform_8, window_bounds = array<i64: 128>}, {pipeline_mode = #tpu.pipeline_mode<synchronous>, transform_indices = @transform_9, window_bounds = array<i64: 512, 128>}, {pipeline_mode = #tpu.pipeline_mode<synchronous>, transform_indices = @transform_10, window_bounds = array<i64: 128>}, {pipeline_mode = #tpu.pipeline_mode<synchronous>, transform_indices = @transform_11, window_bounds = array<i64: 128, 128>}, {pipeline_mode = #tpu.pipeline_mode<synchronous>, transform_indices = @transform_12, window_bounds = array<i64: 128>}, {pipeline_mode = #tpu.pipeline_mode<synchronous>, transform_indices = @transform_13, window_bounds = array<i64: 128, 128>}, {pipeline_mode = #tpu.pipeline_mode<synchronous>, transform_indices = @transform_14, window_bounds = array<i64: 128>}, {pipeline_mode = #tpu.pipeline_mode<synchronous>, transform_indices = @transform_15, window_bounds = array<i64: 128, 128>}, {pipeline_mode = #tpu.pipeline_mode<synchronous>, transform_indices = @transform_16, window_bounds = array<i64: 128>}, {pipeline_mode = #tpu.pipeline_mode<synchronous>, transform_indices = @transform_17, window_bounds = array<i64: 128, 8>}, {pipeline_mode = #tpu.pipeline_mode<synchronous>, transform_indices = @transform_18, window_bounds = array<i64: 8>}, {pipeline_mode = #tpu.pipeline_mode<synchronous>, transform_indices = @transform_19, window_bounds = array<i64: 64, 8>}]} {
    %get3A = arith.constant 0 : index
    %get3A_0 = arith.constant 0 : index
    %get3A_1 = vector.load %arg1[%get3A, %get3A_0] : memref<2560x6xf32, #tpu.memory_space<vmem>>, vector<2560x6xf32>
    %slice3A = vector.extract_strided_slice %get3A_1 {offsets = [0, 0], sizes = [2560, 1], strides = [1, 1]} : vector<2560x6xf32> to vector<2560x1xf32>
    %get3A_2 = arith.constant 0 : index
    %get3A_3 = arith.constant 0 : index
    %get3A_4 = vector.load %arg3[%get3A_2, %get3A_3] : memref<1x128xf32, #tpu.memory_space<vmem>>, vector<1x128xf32>
    %mul3A = vector.broadcast %slice3A : vector<2560x1xf32> to vector<2560x128xf32>
    %mul3A_5 = vector.broadcast %get3A_4 : vector<1x128xf32> to vector<2560x128xf32>
    %mul3A_6 = arith.mulf %mul3A, %mul3A_5 : vector<2560x128xf32>
    %get3A_7 = arith.constant 0 : index
    %get3A_8 = vector.load %arg4[%get3A_7] : memref<128xf32, #tpu.memory_space<vmem>>, vector<128xf32>
    %broadcast_in_dim3A = vector.shape_cast %get3A_8 : vector<128xf32> to vector<1x128xf32>
    %add3A = vector.broadcast %broadcast_in_dim3A : vector<1x128xf32> to vector<2560x128xf32>
    %add3A_9 = arith.addf %mul3A_6, %add3A : vector<2560x128xf32>
    %mul3A_10 = arith.constant 0.159154937 : f32
    %mul3A_11 = vector.broadcast %mul3A_10 : f32 to vector<2560x128xf32>
    %mul3A_12 = arith.mulf %add3A_9, %mul3A_11 : vector<2560x128xf32>
    %round3A = math.roundeven %mul3A_12 : vector<2560x128xf32>
    %mul3A_13 = arith.constant 6.28318548 : f32
    %mul3A_14 = vector.broadcast %mul3A_13 : f32 to vector<2560x128xf32>
    %mul3A_15 = arith.mulf %round3A, %mul3A_14 : vector<2560x128xf32>
    %sub3A = arith.subf %add3A_9, %mul3A_15 : vector<2560x128xf32>
    %mul3A_16 = arith.mulf %sub3A, %sub3A : vector<2560x128xf32>
    %mul3A_17 = arith.constant 2.173210e-06 : f32
    %mul3A_18 = vector.broadcast %mul3A_17 : f32 to vector<2560x128xf32>
    %mul3A_19 = arith.mulf %mul3A_18, %mul3A_16 : vector<2560x128xf32>
    %add3A_20 = arith.constant -1.93161817E-4 : f32
    %add3A_21 = vector.broadcast %add3A_20 : f32 to vector<2560x128xf32>
    %add3A_22 = arith.addf %mul3A_19, %add3A_21 : vector<2560x128xf32>
    %mul3A_23 = arith.mulf %add3A_22, %mul3A_16 : vector<2560x128xf32>
    %add3A_24 = arith.constant 0.00831238274 : f32
    %add3A_25 = vector.broadcast %add3A_24 : f32 to vector<2560x128xf32>
    %add3A_26 = arith.addf %mul3A_23, %add3A_25 : vector<2560x128xf32>
    %mul3A_27 = arith.mulf %add3A_26, %mul3A_16 : vector<2560x128xf32>
    %add3A_28 = arith.constant -0.166632578 : f32
    %add3A_29 = vector.broadcast %add3A_28 : f32 to vector<2560x128xf32>
    %add3A_30 = arith.addf %mul3A_27, %add3A_29 : vector<2560x128xf32>
    %mul3A_31 = arith.mulf %add3A_30, %mul3A_16 : vector<2560x128xf32>
    %add3A_32 = arith.constant 0.999984562 : f32
    %add3A_33 = vector.broadcast %add3A_32 : f32 to vector<2560x128xf32>
    %add3A_34 = arith.addf %mul3A_31, %add3A_33 : vector<2560x128xf32>
    %mul3A_35 = arith.mulf %add3A_34, %sub3A : vector<2560x128xf32>
    %slice3A_36 = vector.extract_strided_slice %get3A_1 {offsets = [0, 1], sizes = [2560, 1], strides = [1, 1]} : vector<2560x6xf32> to vector<2560x1xf32>
    %get3A_37 = arith.constant 0 : index
    %get3A_38 = arith.constant 0 : index
    %get3A_39 = vector.load %arg5[%get3A_37, %get3A_38] : memref<1x128xf32, #tpu.memory_space<vmem>>, vector<1x128xf32>
    %mul3A_40 = vector.broadcast %slice3A_36 : vector<2560x1xf32> to vector<2560x128xf32>
    %mul3A_41 = vector.broadcast %get3A_39 : vector<1x128xf32> to vector<2560x128xf32>
    %mul3A_42 = arith.mulf %mul3A_40, %mul3A_41 : vector<2560x128xf32>
    %get3A_43 = arith.constant 0 : index
    %get3A_44 = vector.load %arg6[%get3A_43] : memref<128xf32, #tpu.memory_space<vmem>>, vector<128xf32>
    %broadcast_in_dim3A_45 = vector.shape_cast %get3A_44 : vector<128xf32> to vector<1x128xf32>
    %add3A_46 = vector.broadcast %broadcast_in_dim3A_45 : vector<1x128xf32> to vector<2560x128xf32>
    %add3A_47 = arith.addf %mul3A_42, %add3A_46 : vector<2560x128xf32>
    %mul3A_48 = arith.constant 0.159154937 : f32
    %mul3A_49 = vector.broadcast %mul3A_48 : f32 to vector<2560x128xf32>
    %mul3A_50 = arith.mulf %add3A_47, %mul3A_49 : vector<2560x128xf32>
    %round3A_51 = math.roundeven %mul3A_50 : vector<2560x128xf32>
    %mul3A_52 = arith.constant 6.28318548 : f32
    %mul3A_53 = vector.broadcast %mul3A_52 : f32 to vector<2560x128xf32>
    %mul3A_54 = arith.mulf %round3A_51, %mul3A_53 : vector<2560x128xf32>
    %sub3A_55 = arith.subf %add3A_47, %mul3A_54 : vector<2560x128xf32>
    %mul3A_56 = arith.mulf %sub3A_55, %sub3A_55 : vector<2560x128xf32>
    %mul3A_57 = arith.constant 2.173210e-06 : f32
    %mul3A_58 = vector.broadcast %mul3A_57 : f32 to vector<2560x128xf32>
    %mul3A_59 = arith.mulf %mul3A_58, %mul3A_56 : vector<2560x128xf32>
    %add3A_60 = arith.constant -1.93161817E-4 : f32
    %add3A_61 = vector.broadcast %add3A_60 : f32 to vector<2560x128xf32>
    %add3A_62 = arith.addf %mul3A_59, %add3A_61 : vector<2560x128xf32>
    %mul3A_63 = arith.mulf %add3A_62, %mul3A_56 : vector<2560x128xf32>
    %add3A_64 = arith.constant 0.00831238274 : f32
    %add3A_65 = vector.broadcast %add3A_64 : f32 to vector<2560x128xf32>
    %add3A_66 = arith.addf %mul3A_63, %add3A_65 : vector<2560x128xf32>
    %mul3A_67 = arith.mulf %add3A_66, %mul3A_56 : vector<2560x128xf32>
    %add3A_68 = arith.constant -0.166632578 : f32
    %add3A_69 = vector.broadcast %add3A_68 : f32 to vector<2560x128xf32>
    %add3A_70 = arith.addf %mul3A_67, %add3A_69 : vector<2560x128xf32>
    %mul3A_71 = arith.mulf %add3A_70, %mul3A_56 : vector<2560x128xf32>
    %add3A_72 = arith.constant 0.999984562 : f32
    %add3A_73 = vector.broadcast %add3A_72 : f32 to vector<2560x128xf32>
    %add3A_74 = arith.addf %mul3A_71, %add3A_73 : vector<2560x128xf32>
    %mul3A_75 = arith.mulf %add3A_74, %sub3A_55 : vector<2560x128xf32>
    %get3A_76 = arith.constant 0 : index
    %get3A_77 = arith.constant 0 : index
    %get3A_78 = vector.load %arg8[%get3A_76, %get3A_77] : memref<3x128xf32, #tpu.memory_space<vmem>>, vector<3x128xf32>
    %slice3A_79 = vector.extract_strided_slice %get3A_1 {offsets = [0, 3], sizes = [2560, 1], strides = [1, 1]} : vector<2560x6xf32> to vector<2560x1xf32>
    %slice3A_80 = vector.extract_strided_slice %get3A_78 {offsets = [0, 0], sizes = [1, 128], strides = [1, 1]} : vector<3x128xf32> to vector<1x128xf32>
    %mul3A_81 = vector.broadcast %slice3A_79 : vector<2560x1xf32> to vector<2560x128xf32>
    %mul3A_82 = vector.broadcast %slice3A_80 : vector<1x128xf32> to vector<2560x128xf32>
    %mul3A_83 = arith.mulf %mul3A_81, %mul3A_82 : vector<2560x128xf32>
    %slice3A_84 = vector.extract_strided_slice %get3A_1 {offsets = [0, 4], sizes = [2560, 1], strides = [1, 1]} : vector<2560x6xf32> to vector<2560x1xf32>
    %slice3A_85 = vector.extract_strided_slice %get3A_78 {offsets = [1, 0], sizes = [1, 128], strides = [1, 1]} : vector<3x128xf32> to vector<1x128xf32>
    %mul3A_86 = vector.broadcast %slice3A_84 : vector<2560x1xf32> to vector<2560x128xf32>
    %mul3A_87 = vector.broadcast %slice3A_85 : vector<1x128xf32> to vector<2560x128xf32>
    %mul3A_88 = arith.mulf %mul3A_86, %mul3A_87 : vector<2560x128xf32>
    %add3A_89 = arith.addf %mul3A_83, %mul3A_88 : vector<2560x128xf32>
    %slice3A_90 = vector.extract_strided_slice %get3A_1 {offsets = [0, 5], sizes = [2560, 1], strides = [1, 1]} : vector<2560x6xf32> to vector<2560x1xf32>
    %slice3A_91 = vector.extract_strided_slice %get3A_78 {offsets = [2, 0], sizes = [1, 128], strides = [1, 1]} : vector<3x128xf32> to vector<1x128xf32>
    %mul3A_92 = vector.broadcast %slice3A_90 : vector<2560x1xf32> to vector<2560x128xf32>
    %mul3A_93 = vector.broadcast %slice3A_91 : vector<1x128xf32> to vector<2560x128xf32>
    %mul3A_94 = arith.mulf %mul3A_92, %mul3A_93 : vector<2560x128xf32>
    %add3A_95 = arith.addf %add3A_89, %mul3A_94 : vector<2560x128xf32>
    %get3A_96 = arith.constant 0 : index
    %get3A_97 = vector.load %arg9[%get3A_96] : memref<128xf32, #tpu.memory_space<vmem>>, vector<128xf32>
    %broadcast_in_dim3A_98 = vector.shape_cast %get3A_97 : vector<128xf32> to vector<1x128xf32>
    %add3A_99 = vector.broadcast %broadcast_in_dim3A_98 : vector<1x128xf32> to vector<2560x128xf32>
    %add3A_100 = arith.addf %add3A_95, %add3A_99 : vector<2560x128xf32>
    %mul3A_101 = arith.constant 0.159154937 : f32
    %mul3A_102 = vector.broadcast %mul3A_101 : f32 to vector<2560x128xf32>
    %mul3A_103 = arith.mulf %add3A_100, %mul3A_102 : vector<2560x128xf32>
    %round3A_104 = math.roundeven %mul3A_103 : vector<2560x128xf32>
    %mul3A_105 = arith.constant 6.28318548 : f32
    %mul3A_106 = vector.broadcast %mul3A_105 : f32 to vector<2560x128xf32>
    %mul3A_107 = arith.mulf %round3A_104, %mul3A_106 : vector<2560x128xf32>
    %sub3A_108 = arith.subf %add3A_100, %mul3A_107 : vector<2560x128xf32>
    %mul3A_109 = arith.mulf %sub3A_108, %sub3A_108 : vector<2560x128xf32>
    %mul3A_110 = arith.constant 2.173210e-06 : f32
    %mul3A_111 = vector.broadcast %mul3A_110 : f32 to vector<2560x128xf32>
    %mul3A_112 = arith.mulf %mul3A_111, %mul3A_109 : vector<2560x128xf32>
    %add3A_113 = arith.constant -1.93161817E-4 : f32
    %add3A_114 = vector.broadcast %add3A_113 : f32 to vector<2560x128xf32>
    %add3A_115 = arith.addf %mul3A_112, %add3A_114 : vector<2560x128xf32>
    %mul3A_116 = arith.mulf %add3A_115, %mul3A_109 : vector<2560x128xf32>
    %add3A_117 = arith.constant 0.00831238274 : f32
    %add3A_118 = vector.broadcast %add3A_117 : f32 to vector<2560x128xf32>
    %add3A_119 = arith.addf %mul3A_116, %add3A_118 : vector<2560x128xf32>
    %mul3A_120 = arith.mulf %add3A_119, %mul3A_109 : vector<2560x128xf32>
    %add3A_121 = arith.constant -0.166632578 : f32
    %add3A_122 = vector.broadcast %add3A_121 : f32 to vector<2560x128xf32>
    %add3A_123 = arith.addf %mul3A_120, %add3A_122 : vector<2560x128xf32>
    %mul3A_124 = arith.mulf %add3A_123, %mul3A_109 : vector<2560x128xf32>
    %add3A_125 = arith.constant 0.999984562 : f32
    %add3A_126 = vector.broadcast %add3A_125 : f32 to vector<2560x128xf32>
    %add3A_127 = arith.addf %mul3A_124, %add3A_126 : vector<2560x128xf32>
    %mul3A_128 = arith.mulf %add3A_127, %sub3A_108 : vector<2560x128xf32>
    %slice3A_129 = vector.extract_strided_slice %get3A_1 {offsets = [0, 2], sizes = [2560, 1], strides = [1, 1]} : vector<2560x6xf32> to vector<2560x1xf32>
    %convert_element_type3A = arith.fptosi %slice3A_129 : vector<2560x1xf32> to vector<2560x1xi32>
    %iota3A = tpu.iota {dimensions = array<i32: 1>} : vector<2560x4xi32>
    %eq3A = vector.broadcast %convert_element_type3A : vector<2560x1xi32> to vector<2560x4xi32>
    %eq3A_130 = arith.cmpi eq, %eq3A, %iota3A : vector<2560x4xi32>
    %convert_element_type3A_131 = arith.extui %eq3A_130 : vector<2560x4xi1> to vector<2560x4xi32>
    %convert_element_type3A_132 = arith.sitofp %convert_element_type3A_131 : vector<2560x4xi32> to vector<2560x4xf32>
    %get3A_133 = arith.constant 0 : index
    %get3A_134 = arith.constant 0 : index
    %get3A_135 = vector.load %arg10[%get3A_133, %get3A_134] : memref<512x128xf32, #tpu.memory_space<vmem>>, vector<512x128xf32>
    %get3A_136 = arith.constant 0 : index
    %get3A_137 = arith.constant 0 : index
    %get3A_138 = vector.load %arg7[%get3A_136, %get3A_137] : memref<4x128xf32, #tpu.memory_space<vmem>>, vector<4x128xf32>
    %slice3A_139 = vector.extract_strided_slice %get3A_135 {offsets = [256, 0], sizes = [128, 128], strides = [1, 1]} : vector<512x128xf32> to vector<128x128xf32>
    %dot_general3A = arith.constant dense<0.000000e+00> : vector<4x128xf32>
    %dot_general3A_140 = tpu.matmul %get3A_138, %slice3A_139, %dot_general3A {dimension_numbers = #tpu.dot_dimension_numbers<[1], [0], [0], [1], [0, 0, 1, 1], [], []>, transpose_lhs_hint = false} : vector<4x128xf32>, vector<128x128xf32>, vector<4x128xf32> -> vector<4x128xf32>
    %slice3A_141 = vector.extract_strided_slice %get3A_135 {offsets = [0, 0], sizes = [128, 128], strides = [1, 1]} : vector<512x128xf32> to vector<128x128xf32>
    %dot_general3A_142 = arith.constant dense<0.000000e+00> : vector<2560x128xf32>
    %dot_general3A_143 = tpu.matmul %mul3A_35, %slice3A_141, %dot_general3A_142 {dimension_numbers = #tpu.dot_dimension_numbers<[1], [0], [0], [1], [0, 0, 1, 1], [], []>, transpose_lhs_hint = false} : vector<2560x128xf32>, vector<128x128xf32>, vector<2560x128xf32> -> vector<2560x128xf32>
    %slice3A_144 = vector.extract_strided_slice %get3A_135 {offsets = [128, 0], sizes = [128, 128], strides = [1, 1]} : vector<512x128xf32> to vector<128x128xf32>
    %dot_general3A_145 = arith.constant dense<0.000000e+00> : vector<2560x128xf32>
    %dot_general3A_146 = tpu.matmul %mul3A_75, %slice3A_144, %dot_general3A_145 {dimension_numbers = #tpu.dot_dimension_numbers<[1], [0], [0], [1], [0, 0, 1, 1], [], []>, transpose_lhs_hint = false} : vector<2560x128xf32>, vector<128x128xf32>, vector<2560x128xf32> -> vector<2560x128xf32>
    %add3A_147 = arith.addf %dot_general3A_143, %dot_general3A_146 : vector<2560x128xf32>
    %slice3A_148 = vector.extract_strided_slice %get3A_135 {offsets = [384, 0], sizes = [128, 128], strides = [1, 1]} : vector<512x128xf32> to vector<128x128xf32>
    %dot_general3A_149 = arith.constant dense<0.000000e+00> : vector<2560x128xf32>
    %dot_general3A_150 = tpu.matmul %mul3A_128, %slice3A_148, %dot_general3A_149 {dimension_numbers = #tpu.dot_dimension_numbers<[1], [0], [0], [1], [0, 0, 1, 1], [], []>, transpose_lhs_hint = false} : vector<2560x128xf32>, vector<128x128xf32>, vector<2560x128xf32> -> vector<2560x128xf32>
    %add3A_151 = arith.addf %add3A_147, %dot_general3A_150 : vector<2560x128xf32>
    %dot_general3A_152 = arith.constant dense<0.000000e+00> : vector<2560x128xf32>
    %dot_general3A_153 = tpu.matmul %convert_element_type3A_132, %dot_general3A_140, %dot_general3A_152 {dimension_numbers = #tpu.dot_dimension_numbers<[1], [0], [0], [1], [0, 0, 1, 1], [], []>, transpose_lhs_hint = false} : vector<2560x4xf32>, vector<4x128xf32>, vector<2560x128xf32> -> vector<2560x128xf32>
    %add3A_154 = arith.addf %add3A_151, %dot_general3A_153 : vector<2560x128xf32>
    %get3A_155 = arith.constant 0 : index
    %get3A_156 = vector.load %arg11[%get3A_155] : memref<128xf32, #tpu.memory_space<vmem>>, vector<128xf32>
    %broadcast_in_dim3A_157 = vector.shape_cast %get3A_156 : vector<128xf32> to vector<1x128xf32>
    %add3A_158 = vector.broadcast %broadcast_in_dim3A_157 : vector<1x128xf32> to vector<2560x128xf32>
    %add3A_159 = arith.addf %add3A_154, %add3A_158 : vector<2560x128xf32>
    %get3A_160 = arith.constant 0 : index
    %get3A_161 = arith.constant 0 : index
    %get3A_162 = vector.load %arg12[%get3A_160, %get3A_161] : memref<128x128xf32, #tpu.memory_space<vmem>>, vector<128x128xf32>
    %dot_general3A_163 = arith.constant dense<0.000000e+00> : vector<2560x128xf32>
    %dot_general3A_164 = tpu.matmul %add3A_159, %get3A_162, %dot_general3A_163 {dimension_numbers = #tpu.dot_dimension_numbers<[1], [0], [0], [1], [0, 0, 1, 1], [], []>, transpose_lhs_hint = false} : vector<2560x128xf32>, vector<128x128xf32>, vector<2560x128xf32> -> vector<2560x128xf32>
    %get3A_165 = arith.constant 0 : index
    %get3A_166 = vector.load %arg13[%get3A_165] : memref<128xf32, #tpu.memory_space<vmem>>, vector<128xf32>
    %broadcast_in_dim3A_167 = vector.shape_cast %get3A_166 : vector<128xf32> to vector<1x128xf32>
    %add3A_168 = vector.broadcast %broadcast_in_dim3A_167 : vector<1x128xf32> to vector<2560x128xf32>
    %add3A_169 = arith.addf %dot_general3A_164, %add3A_168 : vector<2560x128xf32>
    %max3A = arith.constant 0.000000e+00 : f32
    %max3A_170 = vector.broadcast %max3A : f32 to vector<2560x128xf32>
    %max3A_171 = arith.maximumf %add3A_169, %max3A_170 : vector<2560x128xf32>
    %get3A_172 = arith.constant 0 : index
    %get3A_173 = arith.constant 0 : index
    %get3A_174 = vector.load %arg14[%get3A_172, %get3A_173] : memref<128x128xf32, #tpu.memory_space<vmem>>, vector<128x128xf32>
    %dot_general3A_175 = arith.constant dense<0.000000e+00> : vector<2560x128xf32>
    %dot_general3A_176 = tpu.matmul %max3A_171, %get3A_174, %dot_general3A_175 {dimension_numbers = #tpu.dot_dimension_numbers<[1], [0], [0], [1], [0, 0, 1, 1], [], []>, transpose_lhs_hint = false} : vector<2560x128xf32>, vector<128x128xf32>, vector<2560x128xf32> -> vector<2560x128xf32>
    %get3A_177 = arith.constant 0 : index
    %get3A_178 = vector.load %arg15[%get3A_177] : memref<128xf32, #tpu.memory_space<vmem>>, vector<128xf32>
    %broadcast_in_dim3A_179 = vector.shape_cast %get3A_178 : vector<128xf32> to vector<1x128xf32>
    %add3A_180 = vector.broadcast %broadcast_in_dim3A_179 : vector<1x128xf32> to vector<2560x128xf32>
    %add3A_181 = arith.addf %dot_general3A_176, %add3A_180 : vector<2560x128xf32>
    %get3A_182 = arith.constant 0 : index
    %get3A_183 = arith.constant 0 : index
    %get3A_184 = arith.constant 0 : index
    %get3A_185 = vector.load %arg2[%get3A_182, %get3A_183, %get3A_184] : memref<1x1x2560xi32, #tpu.memory_space<vmem>>, vector<1x1x2560xi32>
    %get3A_186 = vector.shape_cast %get3A_185 : vector<1x1x2560xi32> to vector<2560xi32>
    %iota3A_187 = tpu.iota {dimensions = array<i32: 0>} : vector<64x2560xi32>
    %broadcast_in_dim3A_188 = vector.shape_cast %get3A_186 : vector<2560xi32> to vector<1x2560xi32>
    %eq3A_189 = vector.broadcast %broadcast_in_dim3A_188 : vector<1x2560xi32> to vector<64x2560xi32>
    %eq3A_190 = arith.cmpi eq, %iota3A_187, %eq3A_189 : vector<64x2560xi32>
    %convert_element_type3A_191 = arith.extui %eq3A_190 : vector<64x2560xi1> to vector<64x2560xi32>
    %convert_element_type3A_192 = arith.sitofp %convert_element_type3A_191 : vector<64x2560xi32> to vector<64x2560xf32>
    %dot_general3A_193 = arith.constant dense<0.000000e+00> : vector<64x128xf32>
    %dot_general3A_194 = tpu.matmul %convert_element_type3A_192, %add3A_181, %dot_general3A_193 {dimension_numbers = #tpu.dot_dimension_numbers<[1], [0], [0], [1], [0, 0, 1, 1], [], []>, transpose_lhs_hint = false} : vector<64x2560xf32>, vector<2560x128xf32>, vector<64x128xf32> -> vector<64x128xf32>
    %eq3A_195 = arith.constant 0 : i32
    %eq3A_196 = arith.cmpi eq, %arg0, %eq3A_195 : i32
    %convert_element_type3A_197 = arith.extui %eq3A_196 : i1 to i32
    %cond3A = arith.constant 0 : i32
    %cond3A_198 = arith.cmpi ne, %convert_element_type3A_197, %cond3A : i32
    scf.if %cond3A_198 {
      %broadcast_in_dim3A_210 = arith.constant 0.000000e+00 : f32
      %broadcast_in_dim3A_211 = vector.broadcast %broadcast_in_dim3A_210 : f32 to vector<64x128xf32>
      %swap3A_212 = arith.constant 0 : index
      %swap3A_213 = arith.constant 0 : index
      %swap3A_214 = vector.load %arg21[%swap3A_212, %swap3A_213] : memref<64x128xf32, #tpu.memory_space<vmem>>, vector<64x128xf32>
      tpu.vector_store %arg21[%swap3A_212, %swap3A_213], %broadcast_in_dim3A_211 {strides = array<i32>} : memref<64x128xf32, #tpu.memory_space<vmem>>, vector<64x128xf32>,
    } else {
    }
    %get3A_199 = arith.constant 0 : index
    %get3A_200 = arith.constant 0 : index
    %get3A_201 = vector.load %arg21[%get3A_199, %get3A_200] : memref<64x128xf32, #tpu.memory_space<vmem>>, vector<64x128xf32>
    %add3A_202 = arith.addf %get3A_201, %dot_general3A_194 : vector<64x128xf32>
    %swap3A = arith.constant 0 : index
    %swap3A_203 = arith.constant 0 : index
    %swap3A_204 = vector.load %arg21[%swap3A, %swap3A_203] : memref<64x128xf32, #tpu.memory_space<vmem>>, vector<64x128xf32>
    tpu.vector_store %arg21[%swap3A, %swap3A_203], %add3A_202 {strides = array<i32>} : memref<64x128xf32, #tpu.memory_space<vmem>>, vector<64x128xf32>,
    %eq3A_205 = arith.constant 124 : i32
    %eq3A_206 = arith.cmpi eq, %arg0, %eq3A_205 : i32
    %convert_element_type3A_207 = arith.extui %eq3A_206 : i1 to i32
    %cond3A_208 = arith.constant 0 : i32
    %cond3A_209 = arith.cmpi ne, %convert_element_type3A_207, %cond3A_208 : i32
    scf.if %cond3A_209 {
      %get3A_210 = arith.constant 0 : index
      %get3A_211 = arith.constant 0 : index
      %get3A_212 = vector.load %arg21[%get3A_210, %get3A_211] : memref<64x128xf32, #tpu.memory_space<vmem>>, vector<64x128xf32>
      %get3A_213 = arith.constant 0 : index
      %get3A_214 = arith.constant 0 : index
      %get3A_215 = vector.load %arg16[%get3A_213, %get3A_214] : memref<128x128xf32, #tpu.memory_space<vmem>>, vector<128x128xf32>
      %dot_general3A_216 = arith.constant dense<0.000000e+00> : vector<64x128xf32>
      %dot_general3A_217 = tpu.matmul %get3A_212, %get3A_215, %dot_general3A_216 {dimension_numbers = #tpu.dot_dimension_numbers<[1], [0], [0], [1], [0, 0, 1, 1], [], []>, transpose_lhs_hint = false} : vector<64x128xf32>, vector<128x128xf32>, vector<64x128xf32> -> vector<64x128xf32>
      %get3A_218 = arith.constant 0 : index
      %get3A_219 = vector.load %arg17[%get3A_218] : memref<128xf32, #tpu.memory_space<vmem>>, vector<128xf32>
      %broadcast_in_dim3A_220 = vector.shape_cast %get3A_219 : vector<128xf32> to vector<1x128xf32>
      %add3A_221 = vector.broadcast %broadcast_in_dim3A_220 : vector<1x128xf32> to vector<64x128xf32>
      %add3A_222 = arith.addf %dot_general3A_217, %add3A_221 : vector<64x128xf32>
      %max3A_223 = arith.constant 0.000000e+00 : f32
      %max3A_224 = vector.broadcast %max3A_223 : f32 to vector<64x128xf32>
      %max3A_225 = arith.maximumf %add3A_222, %max3A_224 : vector<64x128xf32>
      %get3A_226 = arith.constant 0 : index
      %get3A_227 = arith.constant 0 : index
      %get3A_228 = vector.load %arg18[%get3A_226, %get3A_227] : memref<128x8xf32, #tpu.memory_space<vmem>>, vector<128x8xf32>
      %dot_general3A_229 = arith.constant dense<0.000000e+00> : vector<64x8xf32>
      %dot_general3A_230 = tpu.matmul %max3A_225, %get3A_228, %dot_general3A_229 {dimension_numbers = #tpu.dot_dimension_numbers<[1], [0], [0], [1], [0, 0, 1, 1], [], []>, transpose_lhs_hint = false} : vector<64x128xf32>, vector<128x8xf32>, vector<64x8xf32> -> vector<64x8xf32>
      %get3A_231 = arith.constant 0 : index
      %get3A_232 = vector.load %arg19[%get3A_231] : memref<8xf32, #tpu.memory_space<vmem>>, vector<8xf32>
      %broadcast_in_dim3A_233 = vector.shape_cast %get3A_232 : vector<8xf32> to vector<1x8xf32>
      %add3A_234 = vector.broadcast %broadcast_in_dim3A_233 : vector<1x8xf32> to vector<64x8xf32>
      %add3A_235 = arith.addf %dot_general3A_230, %add3A_234 : vector<64x8xf32>
      %neg3A = arith.constant 0.000000e+00 : f32
      %neg3A_236 = vector.broadcast %neg3A : f32 to vector<64x8xf32>
      %neg3A_237 = arith.subf %neg3A_236, %add3A_235 : vector<64x8xf32>
      %exp3A = math.exp %neg3A_237 : vector<64x8xf32>
      %add3A_238 = arith.constant 1.000000e+00 : f32
      %add3A_239 = vector.broadcast %add3A_238 : f32 to vector<64x8xf32>
      %add3A_240 = arith.addf %add3A_239, %exp3A : vector<64x8xf32>
      %div3A = arith.constant 1.000000e+00 : f32
      %div3A_241 = vector.broadcast %div3A : f32 to vector<64x8xf32>
      %div3A_242 = arith.divf %div3A_241, %add3A_240 : vector<64x8xf32>
      %swap3A_243 = arith.constant 0 : index
      %swap3A_244 = arith.constant 0 : index
      %swap3A_245 = vector.load %arg20[%swap3A_243, %swap3A_244] : memref<64x8xf32, #tpu.memory_space<vmem>>, vector<64x8xf32>
      tpu.vector_store %arg20[%swap3A_243, %swap3A_244], %div3A_242 {strides = array<i32>} : memref<64x8xf32, #tpu.memory_space<vmem>>, vector<64x8xf32>,
    } else {
    }
    return
  }
  func.func @transform_0(%arg0: i32) -> (i32, i32) {
    %c0_i32 = arith.constant 0 : i32
    %c0_i32_0 = arith.constant 0 : i32
    return %arg0, %c0_i32 : i32, i32
  }
  func.func @transform_1(%arg0: i32) -> (i32, i32, i32) {
    %c0_i32 = arith.constant 0 : i32
    %c0_i32_0 = arith.constant 0 : i32
    %c0_i32_1 = arith.constant 0 : i32
    return %arg0, %c0_i32, %c0_i32_0 : i32, i32, i32
  }
  func.func @transform_2(%arg0: i32) -> (i32, i32) {
    %c0_i32 = arith.constant 0 : i32
    %c0_i32_0 = arith.constant 0 : i32
    %c0_i32_1 = arith.constant 0 : i32
    return %c0_i32, %c0_i32_0 : i32, i32
  }
  func.func @transform_3(%arg0: i32) -> i32 {
    %c0_i32 = arith.constant 0 : i32
    %c0_i32_0 = arith.constant 0 : i32
    return %c0_i32 : i32
  }
  func.func @transform_4(%arg0: i32) -> (i32, i32) {
    %c0_i32 = arith.constant 0 : i32
    %c0_i32_0 = arith.constant 0 : i32
    %c0_i32_1 = arith.constant 0 : i32
    return %c0_i32, %c0_i32_0 : i32, i32
  }
  func.func @transform_5(%arg0: i32) -> i32 {
    %c0_i32 = arith.constant 0 : i32
    %c0_i32_0 = arith.constant 0 : i32
    return %c0_i32 : i32
  }
  func.func @transform_6(%arg0: i32) -> (i32, i32) {
    %c0_i32 = arith.constant 0 : i32
    %c0_i32_0 = arith.constant 0 : i32
    %c0_i32_1 = arith.constant 0 : i32
    return %c0_i32, %c0_i32_0 : i32, i32
  }
  func.func @transform_7(%arg0: i32) -> (i32, i32) {
    %c0_i32 = arith.constant 0 : i32
    %c0_i32_0 = arith.constant 0 : i32
    %c0_i32_1 = arith.constant 0 : i32
    return %c0_i32, %c0_i32_0 : i32, i32
  }
  func.func @transform_8(%arg0: i32) -> i32 {
    %c0_i32 = arith.constant 0 : i32
    %c0_i32_0 = arith.constant 0 : i32
    return %c0_i32 : i32
  }
  func.func @transform_9(%arg0: i32) -> (i32, i32) {
    %c0_i32 = arith.constant 0 : i32
    %c0_i32_0 = arith.constant 0 : i32
    %c0_i32_1 = arith.constant 0 : i32
    return %c0_i32, %c0_i32_0 : i32, i32
  }
  func.func @transform_10(%arg0: i32) -> i32 {
    %c0_i32 = arith.constant 0 : i32
    %c0_i32_0 = arith.constant 0 : i32
    return %c0_i32 : i32
  }
  func.func @transform_11(%arg0: i32) -> (i32, i32) {
    %c0_i32 = arith.constant 0 : i32
    %c0_i32_0 = arith.constant 0 : i32
    %c0_i32_1 = arith.constant 0 : i32
    return %c0_i32, %c0_i32_0 : i32, i32
  }
  func.func @transform_12(%arg0: i32) -> i32 {
    %c0_i32 = arith.constant 0 : i32
    %c0_i32_0 = arith.constant 0 : i32
    return %c0_i32 : i32
  }
  func.func @transform_13(%arg0: i32) -> (i32, i32) {
    %c0_i32 = arith.constant 0 : i32
    %c0_i32_0 = arith.constant 0 : i32
    %c0_i32_1 = arith.constant 0 : i32
    return %c0_i32, %c0_i32_0 : i32, i32
  }
  func.func @transform_14(%arg0: i32) -> i32 {
    %c0_i32 = arith.constant 0 : i32
    %c0_i32_0 = arith.constant 0 : i32
    return %c0_i32 : i32
  }
  func.func @transform_15(%arg0: i32) -> (i32, i32) {
    %c0_i32 = arith.constant 0 : i32
    %c0_i32_0 = arith.constant 0 : i32
    %c0_i32_1 = arith.constant 0 : i32
    return %c0_i32, %c0_i32_0 : i32, i32
  }
  func.func @transform_16(%arg0: i32) -> i32 {
    %c0_i32 = arith.constant 0 : i32
    %c0_i32_0 = arith.constant 0 : i32
    return %c0_i32 : i32
  }
  func.func @transform_17(%arg0: i32) -> (i32, i32) {
    %c0_i32 = arith.constant 0 : i32
    %c0_i32_0 = arith.constant 0 : i32
    %c0_i32_1 = arith.constant 0 : i32
    return %c0_i32, %c0_i32_0 : i32, i32
  }
  func.func @transform_18(%arg0: i32) -> i32 {
    %c0_i32 = arith.constant 0 : i32
    %c0_i32_0 = arith.constant 0 : i32
    return %c0_i32 : i32
  }
  func.func @transform_19(%arg0: i32) -> (i32, i32) {
    %c0_i32 = arith.constant 0 : i32
    %c0_i32_0 = arith.constant 0 : i32
    %c0_i32_1 = arith.constant 0 : i32
    return %c0_i32, %c0_i32_0 : i32, i32
  }
}

</mosaic_0001>

<sc_bundles>
// kernel: kernel.4.cloned.1.call-start
scs
__scs_entry_jumppad:
0x0: {  	(pc) =	sbr.rel $0x88, $3  }
0x1: {  	(tag) =	ssettag $0x0;
	lr =	simm.s32 $0x1  }
0x2: {  	[smem:$0x3F8D] =	sst lr;
	_ =	strace $0xD0000000  }
0x3: {  	_ = 	snop  }
0x4: {  	_ = 	snop  }
0x5: {  	_ = 	snop  }
0x6: {  	_ = 	snop  }
0x7: {  	_ = 	snop  }
__scs_overlays_trampoline_lowered:
0x8: {  	[smem:$0x3F9C] =	sst s0  }
0x9: {  	[smem:$0x3F9D] =	sst s1  }
0xa: {  	[smem:$0x3F9E] =	sst s2  }
0xb: {  	[smem:$0x3F9F] =	sst s3  }
0xc: {  	[smem:$0x3FA0] =	sst s4  }
0xd: {  	[smem:$0x3FA1] =	sst s5  }
0xe: {  	[smem:$0x3FA2] =	sst s6  }
0xf: {  	[smem:$0x3FA3] =	sst s7  }
0x10: {  	[smem:$0x3FA4] =	sst s8  }
0x11: {  	[smem:$0x3FA5] =	sst s9;
	s0 =	simm.s32 @!p0 $0x0  }
0x12: {  	s1 =	sld [smem:$0x3F8B];
	s0 =	simm.s32 @p0 $0x1  }
0x13: {  	[smem:$0x3FA6] =	sst s0;
	s0 =	simm.s32 @!p1 $0x0  }
0x14: {  	s2 =	sld [smem:$0x3F8A];
	s0 =	simm.s32 @p1 $0x1  }
0x15: {  	[smem:$0x3FA7] =	sst s0;
	s0 =	simm.s32 @!p2 $0x0  }
0x16: {  	s3 =	sld [smem:$0x3FDB];
	s0 =	simm.s32 @p2 $0x1  }
0x17: {  	s4 =	simm.s32 $0x1BF5;
	[smem:$0x3FA9] =	sst s0  }
0x18: {  	s0 =	sld [smem:$0x3F8C];
	_ =	swait.ge [sflag:s4], $0x0  }
0x19: {  	s7 =	sld [smem:$0x3F8D]  }
0x1a: {  	s8 =	sadd.s32 $0xFFFFE003, lr  }
0x1b: {  	s9 =	sadd.s32 $0xFFFFFEF7, lr;
	s5 =	simm.s32 $0xFFFFFFFF;
	p2 =	slt.u32 s8, $0xFFFFF086  }
0x1c: {  	p1 =	slt.u32 s9, $0xF7A;
	s5 =	simm.s32 @!p2 $0x0  }
0x1d: {  	s5 =	simm.s32 @p1 $0x1;
	p0 =	seq.s32 s7, s2  }
0x1e: {  	s7 =	smul.u32 @!p0 $0xF7A, s2;
	p2 =	seq.s32 @!p0 s5, $0x0  }
0x1f: {  	s9 =	smul.u32 $0xF7A, s1;
	s8 =	simm.s32 @!p0 $0x1BF5;
	p2 =	por !p2, p0  }
0x20: {  	[sflag:s8] =	ssyncset.s32 @!p0 $0xFFFFF086;
	s6 =	sadd.s32 @!p0 s3, s7;
	s7 =	simm.s32 @!p0 $0x108  }
0x21: {  	s3 =	sadd.s32 s3, s9;
	s6 =	sadd.s32 @!p0 $0x88, s6;
	s7 =	simm.s32 @p2 $0x1082  }
0x22: {  	[simem:s7], [sflag:s8] =	dma.local @!p0 [hbm:s6], $0xF7A  }
0x23: {  	s9 =	sor.u32 $0xD0000000, s2;
	s6 =	simm.s32 $0x108;
	_ =	swait.ge @!p0 [sflag:s8], $0x0  }
0x24: {  	s3 =	sadd.s32 $0x88, s3;
	s6 =	simm.s32 @!p1 $0x1082;
	[sflag:s4] =	ssyncset.s32 $0xFFFFF086  }
0x25: {  	[simem:s6], [sflag:s4] =	dma.local [hbm:s3], $0xF7A  }
0x26: {  	[smem:$0x3F8D] =	sst s1;
	(tag) =	ssettag s2;
	_ =	strace s9  }
0x27: {  	s1 =	sld [smem:$0x3F9D]  }
0x28: {  	s2 =	sld [smem:$0x3F9E]  }
0x29: {  	s4 =	sld [smem:$0x3FA0]  }
0x2a: {  	p0 =	seq.s32 s5, $0x0;
	s5 =	sld [smem:$0x3FA1]  }
0x2b: {  	s6 =	sld [smem:$0x3FA2]  }
0x2c: {  	s7 =	sld [smem:$0x3FA3]  }
0x2d: {  	s3 =	simm.s32 $0x108;
	s8 =	sld [smem:$0x3FA4]  }
0x2e: {  	s3 =	simm.s32 @!p0 $0x1082;
	s9 =	sld [smem:$0x3FA5]  }
0x2f: {  	lr =	sadd.s32 s0, s3;
	s0 =	sld [smem:$0x3F9C]  }
0x30: {  	s3 =	sld [smem:$0x3F9F]  }
0x31: {  	[smem:$0x3FA8] =	sst s10  }
0x32: {  	s10 =	sld [smem:$0x3FA6];
	_ =	sdelay $0x3  }
0x33: {  	p0 =	seq.s32 s10, $0x1;
	s10 =	sld [smem:$0x3FA8];
	_ =	sdelay $0x3  }
0x34: {  	[smem:$0x3FA8] =	sst s10  }
0x35: {  	s10 =	sld [smem:$0x3FA7];
	_ =	sdelay $0x3  }
0x36: {  	p1 =	seq.s32 s10, $0x1;
	s10 =	sld [smem:$0x3FA8];
	_ =	sdelay $0x3  }
0x37: {  	[smem:$0x3FA8] =	sst s10  }
0x38: {  	s10 =	sld [smem:$0x3FA9]  }
0x39: {  	_ = 	snop;
	(pc) =	sbr.ind lr, $3  }
0x3a: {  	_ = 	snop  }
0x3b: {  	_ = 	snop  }
0x3c: {  	p2 =	seq.s32 s10, $0x1;
	s10 =	sld [smem:$0x3FA8]  }
0x3d: {  	_ =	shalt  }
0x3e: {  	_ =	shalt  }
0x3f: {  	_ =	shalt  }
0x40: {  	_ =	shalt  }
0x41: {  	_ =	shalt  }
0x42: {  	_ =	shalt  }
0x43: {  	_ =	shalt  }
0x44: {  	_ =	shalt  }
0x45: {  	_ =	shalt  }
0x46: {  	_ =	shalt  }
0x47: {  	_ =	shalt  }
0x48: {  	_ =	shalt  }
0x49: {  	_ =	shalt  }
0x4a: {  	_ =	shalt  }
0x4b: {  	_ =	shalt  }
0x4c: {  	_ =	shalt  }
0x4d: {  	_ =	shalt  }
0x4e: {  	_ =	shalt  }
0x4f: {  	_ =	shalt  }
0x50: {  	_ =	shalt  }
0x51: {  	_ =	shalt  }
0x52: {  	_ =	shalt  }
0x53: {  	_ =	shalt  }
0x54: {  	_ =	shalt  }
0x55: {  	_ =	shalt  }
0x56: {  	_ =	shalt  }
0x57: {  	_ =	shalt  }
0x58: {  	_ =	shalt  }
0x59: {  	_ =	shalt  }
0x5a: {  	_ =	shalt  }
0x5b: {  	_ =	shalt  }
0x5c: {  	_ =	shalt  }
0x5d: {  	_ =	shalt  }
0x5e: {  	_ =	shalt  }
0x5f: {  	_ =	shalt  }
0x60: {  	_ =	shalt  }
0x61: {  	_ =	shalt  }
0x62: {  	_ =	shalt  }
0x63: {  	_ =	shalt  }
0x64: {  	_ =	shalt  }
0x65: {  	_ =	shalt  }
0x66: {  	_ =	shalt  }
0x67: {  	_ =	shalt  }
0x68: {  	_ =	shalt  }
0x69: {  	_ =	shalt  }
0x6a: {  	_ =	shalt  }
0x6b: {  	_ =	shalt  }
0x6c: {  	_ =	shalt  }
0x6d: {  	_ =	shalt  }
0x6e: {  	_ =	shalt  }
0x6f: {  	_ =	shalt  }
0x70: {  	_ =	shalt  }
0x71: {  	_ =	shalt  }
0x72: {  	_ =	shalt  }
0x73: {  	_ =	shalt  }
0x74: {  	_ =	shalt  }
0x75: {  	_ =	shalt  }
0x76: {  	_ =	shalt  }
0x77: {  	_ =	shalt  }
0x78: {  	_ =	shalt  }
0x79: {  	_ =	shalt  }
0x7a: {  	_ =	shalt  }
0x7b: {  	_ =	shalt  }
0x7c: {  	_ =	shalt  }
0x7d: {  	_ =	shalt  }
0x7e: {  	_ =	shalt  }
0x7f: {  	_ =	shalt  }
0x80: {  	_ =	shalt  }
0x81: {  	_ =	shalt  }
0x82: {  	_ =	shalt  }
0x83: {  	_ =	shalt  }
0x84: {  	_ =	shalt  }
0x85: {  	_ =	shalt  }
0x86: {  	_ =	shalt  }
0x87: {  	_ =	shalt  }
.Lfunc_end0:
.L_simem_size_0:
called_computation_lowered:
.L_overlay_start_0:
0x88: {  	s2 =	sld [smem:$0x3FD9]  }
0x89: {  	s3 =	sld [smem:$0x3FFE];
	_ =	sdelay $0x1  }
0x8a: {  	s1 =	srdreg.scid  }
0x8b: {  	s0 =	sand.u32 $0x1, s1  }
0x8c: {  	s17 =	sshll.u32 s0, $0xA;
	s2 =	sadd.s32 s3, s2  }
0x8d: {  	s2 =	sadd.s32 s2, s17  }
0x8e: {  	[smem:$0x3FB4] =	sst s2  }
0x8f: {  	_ = 	snop  }
0x90: {  	s2 =	sld [smem:$0x3FC7];
	(tm) =	ssettm $0x1  }
0x91: {  	s18 =	sld [smem:$0x3FFB];
	_ =	sdelay $0x3  }
0x92: {  	_ =	strace s18  }
0x93: {  	s3 =	sld [smem:$0x3FFC];
	_ =	sdelay $0x3  }
0x94: {  	_ =	strace s3  }
0x95: {  	s3 =	sld [smem:$0x3FFD];
	_ =	sdelay $0x3  }
0x96: {  	_ =	strace s3  }
0x97: {  	_ =	strace $0x8FFFFFFF  }
0x98: {  	s19 =	sld [smem:$0x3FDB];
	_ =	sdelay $0x1  }
0x99: {  	s4 =	simm.s32 $_scs_section_size  }
0x9a: {  	s5 =	simm.s32 $_size__tile_overlayer_lowered;
	s6 =	simm.s32 $_tile_overlayer_lowered  }
0x9b: {  	s22 =	simm.s32 $0x1BFF;
	s21 =	sshll.u32 s6, $0x1;
	s3 =	sadd.s32 s4, s19  }
0x9c: {  	s7 =	simm.s32 $0x0;
	s20 =	sshll.u32 s5, $0x1;
	s5 =	sadd.s32 s21, s3  }
0x9d: {  	[timem:s7], [sflag:s22] =	dma.local [hbm:s5], s20  }
0x9e: {  	_ =	swait.ge [sflag:s22], s20  }
0x9f: {  	s4 =	ssub.s32 $0x0, s20;
	[sflag:s22] =	ssyncset.done $0x0  }
0xa0: {  	[sflag:s22] =	ssyncadd.s32 s4;
	_ =	sdelay $0x1  }
0xa1: {  	s23 =	simm.s32 $0x1B8B  }
0xa2: {  	_ =	swait.ge [sflag:s23], $0x1  }
0xa3: {  	[sflag:s23] =	ssyncset.done $0x0  }
0xa4: {  	s25 =	simm.s32 $0x1B8E;
	s24 =	sld [smem:$0x3FFE];
	[sflag:s23] =	ssyncadd.s32 $0xFFFFFFFF  }
0xa5: {  	s26 =	simm.s32 $execute0_lowered;
	[smem:$0x3FD2] =	sst s25  }
0xa6: {  	s5 =	sshll.u32 s26, $0x1;
	_ =	strace $0x80000046;
	[dreg:$0x1] =	wrdreg $0xFFFFFFFF  }
0xa7: {  	s28 =	simm.s32 $_size_execute0_lowered;
	s3 =	sadd.s32 s3, s5;
	[dreg:$0x0] =	wrdreg $0x0  }
0xa8: {  	s5 =	sshll.u32 s28, $0x1;
	[dreg:$0x2] =	wrdreg s3  }
0xa9: {  	[dreg:$0x3] =	wrdreg s5  }
0xaa: {  	[dreg:$0x4] =	wrdreg $0xC0  }
0xab: {  	_ =	task [dreg:s7], $0x5FFFF  }
0xac: {  	[dreg:$0x1] =	wrdreg $0xFFFFFFFF  }
0xad: {  	[dreg:$0x0] =	wrdreg $0x60  }
0xae: {  	[dreg:$0x2] =	wrdreg s2  }
0xaf: {  	[dreg:$0x3] =	wrdreg s24  }
0xb0: {  	[dreg:$0x4] =	wrdreg $0x9  }
0xb1: {  	_ =	task.clear_ibuf [dreg:s7], $0x5FFFF;
	_ =	strace $0x90000046  }
0xb2: {  	s29 =	simm.s32 $0x9;
	_ =	strace $0x80000048  }
0xb3: {  	_ =	swait.ge [sflag:s29], $0x1  }
0xb4: {  	[sflag:s29] =	ssyncadd.s32 $0xFFFFFFFF  }
0xb5: {  	_ =	strace $0x90000048  }
0xb6: {  	_ =	sfence  }
0xb7: {  	s30 =	sld [smem:$0x0];
	_ =	sdelay $0x2  }
0xb8: {  	s31 =	sshll.u32 s1, $0xD;
	s1 =	sshrl.u32 s1, $0x2  }
0xb9: {  	s3 =	sand.u32 $0x4000, s31;
	s1 =	sadd.s32 s1, s30  }
0xba: {  	s0 =	sor.u32 s3, s0;
	s1 =	sshll.u32 s1, $0x11  }
0xbb: {  	s0 =	sor.u32 s1, s0  }
0xbc: {  	s0 =	sadd.s32 $0x8F2B, s0  }
0xbd: {  	[sflag:s0] =	ssyncadd.remote.s32 $0x1  }
0xbe: {  	_ =	sfence.sel $0xFFFF  }
0xbf: {  	[dreg:$0x0] =	wrdreg $0xFFFFFFFF;
	(pc) =	sbr.abs _section_cstart, $3  }
0xc0: {  	[dreg:$0x1] =	wrdreg $0xFFFFFFFF  }
0xc1: {  	_ =	task.clear_ibuf [dreg:s7], $0x2FFFF;
	_ =	strace $0x9FFFFFFF  }
0xc2: {  	(tm) =	ssettm $0x7FFFFFFF  }
0xc3: {  	_ =	shalt  }
tec
execute0_lowered:
.L_overlay_start_1:
0x0: {  	(tag) =	ssettag $0x1  }
0x1: {  	s1 =	srdreg.scid;
	s2 =	rddreg [dreg:$0x0]  }
0x2: {  	s0 =	stileid.u32;
	s5 =	rddreg [dreg:$0x1];
	s3 =	simm.s32 $0x0  }
0x3: {  	s7 =	simm.s32 $0x1;
	s4 =	sand.u32 $0x1, s1;
	s30 =	sshll.u32 s0, $0x1  }
0x4: {  	s8 =	simm.s32 $0x2780;
	s9 =	simm.s32 $0x4F00;
	s1 =	sor.u32 s4, s30  }
0x5: {  	[smem:$0x7FF] =	sst s3;
	s4 =	ssub.s32 $0x2, s4;
	s6 =	smul.u32 $0x4E2, s1  }
0x6: {  	s10 =	simm.s32 $0x0;
	s1 =	rddreg [dreg:$0x2];
	s31 =	sshrl.u32 s4, $0x1  }
0x7: {  	_ =	strace $0x80000047;
	s5 =	sadd.s32 s6, s5;
	s6 =	ssub.s32 s4, s31  }
0x8: {  	s4 =	sadd.s32 $0x2400, s5;
	s5 =	sadd.s32 $0xC200, s5;
	s6 =	smax.u32 s6, $0x1  }
.LBB2_1:
0x9: {  	[tilespmem:s3], [sflag:$0x1] =	stream.linear.gather [hbm4b:s2+s3], $0x2780, $0x38;
	[tilespmem:$0x7680] =	vst v63  }
0xa: {  	_ =	swait.ge [sflag:s7], $0x2780  }
0xb: {  	[sflag:s7] =	ssyncset.done $0x0  }
0xc: {  	[sflag:s7] =	ssyncadd.s32 $0xFFFFD880  }
0xd: {  	[tilespmem:s8], [sflag:$0x1] =	stream.linear.gather [hbm4b:s4+s3], $0x2710, $0x38;
	[tilespmem:$0x7680] =	vst v63  }
0xe: {  	_ =	swait.ge [sflag:s7], $0x2710  }
0xf: {  	[sflag:s7] =	ssyncset.done $0x0  }
0x10: {  	s11 =	simm.s32 $0x0;
	[sflag:s7] =	ssyncadd.s32 $0xFFFFD8F0  }
0x11: {  	v0 =	vld [tilespmem:s11+$0x2780];
	_ =	sdelay $0x7  }
0x12: {  	s12 =	simm.s32 $0x10;
	s13 =	simm.s32 $0x80;
	v0 =	vld.idx.msk [tilespmem:v0+s3+$0x0], $0xffff  }
.LBB2_2:
0x13: {  	p0 =	sne.s32 s13, $0x9C00;
	v1 =	vld [tilespmem:s12+$0x2780];
	_ =	sdelay $0x3  }
.Ltmp0:
0x14: {  	(pc) =	sbr.rel @p0 .LBB2_2-.Ltmp0, $2  }
0x15: {  	[tilespmem:s11+$0x4F00] =	vst v0;
	s11 =	smov.u32 s12;
	_ =	sdelay $0x2  }
0x16: {  	s12 =	sshra.s32 s13, $0x2;
	s13 =	sadd.s32 $0x40, s13;
	v0 =	vld.idx.msk [tilespmem:v1+s3+$0x0], $0xffff  }
0x17: {  	v1 =	vld [tilespmem:s12+$0x2780];
	_ =	sdelay $0x6  }
0x18: {  	[tilespmem:s11+$0x4F00] =	vst v0  }
0x19: {  	v0 =	vld.idx.msk [tilespmem:v1+s3+$0x0], $0xffff;
	_ =	sdelay $0x2  }
0x1a: {  	s10 =	sadd.s32 $0x1, s10  }
0x1b: {  	p0 =	sne.s32 s10, s6  }
.Ltmp1:
0x1c: {  	[tilespmem:s12+$0x4F00] =	vst v0;
	(pc) =	sbr.rel @p0 .LBB2_1-.Ltmp1, $4  }
0x1d: {  	[hbm4b:s5+s3] =	stream.linear.scatter [tilespmem:s9], [sflag:$0x1], $0x2710, $0x38;
	[tilespmem:$0x7680] =	vst v63  }
0x1e: {  	_ =	swait.ge [sflag:s7], $0x2710  }
0x1f: {  	[sflag:s7] =	ssyncset.done $0x0  }
0x20: {  	[sflag:s7] =	ssyncadd.s32 $0xFFFFD8F0  }
0x21: {  	_ =	sfence.sel $0x180000  }
0x22: {  	[bflag:$0x0] =	sbarrier.arrive $0xFFFF  }
0x23: {  	p0 =	sne.s32 s0, $0x0;
	_ =	strace $0x90000047  }
0x24: {  	s0 =	sadd.s32 @!p0 $0x100000, s1;
	[bflag:$0x2] =	sbarrier.arrive $0xFFFF  }
0x25: {  	[sflag:s0] =	ssyncadd.tile.s32 @!p0 $0x1;
	_ =	shalt  }
.Lfunc_end2:
_tile_overlayer_lowered:
.L_overlay_start_2:
0x26: {  	(tag) =	ssettag $0x2  }
0x27: {  	s0 =	rddreg [dreg:$0x0];
	s2 =	stileid.u32  }
0x28: {  	s1 =	rddreg [dreg:$0x1];
	p0 =	sne.s32 s2, $0x0  }
0x29: {  	s3 =	rddreg [dreg:$0x2];
	[bflag:$0x3] =	sbarrier.arrive $0xFFFF;
	s2 =	simm.s32 @!p0 $0x1C01  }
0x2a: {  	[timem:s3], [sflag:s2] =	dma.local @!p0 [hbm:s0], s1  }
0x2b: {  	s0 =	simm.s32 @!p0 $0x1  }
0x2c: {  	_ =	swait.ge @!p0 [sflag:s0], s1  }
0x2d: {  	s1 =	ssub.s32 @!p0 $0x0, s1;
	[sflag:s0] =	ssyncset.done @!p0 $0x0  }
0x2e: {  	[sflag:s0] =	ssyncadd.s32 @!p0 s1  }
0x2f: {  	[bflag:$0x3] =	sbarrier.arrive $0xFFFF  }
0x30: {  	_ =	shalt  }

</sc_bundles>
